<compile_context>
chip_gen: v7x
topology: tpu7x:2x2x1
jax: 0.10.2.dev20260603
libtpu: 0.0.44.dev20260713+nightly
codegen_flags: <defaults>
</compile_context>

<pallas_src>
import functools

import jax
import jax.numpy as jnp
from jax import lax
from jax.experimental import pallas as pl
from jax.experimental.pallas import tpu as pltpu
from jax.experimental.pallas import tpu_sc as plsc

N = 10000
E = 320000
F = 128
H = 64
G = 16
EPS = 1e-5

NC, NS = 2, 16
NW = NC * NS
NP = 10240
EP = 327680
BLK = 128
NBLK = EP // (NW * BLK)
DPT = E // NW
RB = 2048
NRB = NP // RB

@functools.cache
def _sc_params():
    import dataclasses
    cp = pltpu.CompilerParams()
    if "needs_layout_passes" in pltpu.CompilerParams.__dataclass_fields__:
        cp = dataclasses.replace(cp, needs_layout_passes=False)
    if "use_tc_tiling_on_sc" in pltpu.CompilerParams.__dataclass_fields__:
        cp = dataclasses.replace(cp, use_tc_tiling_on_sc=False)
    return cp


@functools.cache
def _mesh():
    return plsc.VectorSubcoreMesh(
        core_axis_name="c", subcore_axis_name="s",
        num_cores=NC, num_subcores=NS)


def _sc_deg_body(dst_hbm, idr_hbm, out_hbm, idx_v, hist_v, idr_v, zv, acc_sh,
                 sem):
    c = lax.axis_index("c")
    s = lax.axis_index("s")
    wid = s * NC + c
    zero16 = jnp.zeros((16,), jnp.float32)

    @pl.loop(0, 640)
    def _zero_hist(i):
        hist_v[i, :] = zero16

    @pl.loop(0, 40)
    def _zero_zv(i):
        zv[i, :] = zero16

    pltpu.sync_copy(zv, acc_sh.at[pl.ds(s * 40, 40)])
    pltpu.sync_copy(dst_hbm.at[pl.ds(wid * DPT, DPT)], idx_v)
    pltpu.sync_copy(idr_hbm, idr_v)
    plsc.subcore_barrier()

    ones16 = jnp.ones((16,), jnp.float32)

    @pl.loop(0, DPT // 16)
    def _hist(i):
        nid = idx_v[pl.ds(i * 16, 16)]
        row = lax.shift_right_logical(nid, 4)
        col = lax.bitwise_and(nid, 15)
        plsc.addupdate_scatter(hist_v, [row, col], ones16)

    @pl.loop(0, 5)
    def _merge(j):
        pltpu.sync_copy(hist_v.at[pl.ds(j * 128, 128)],
                        acc_sh.at[idr_v.at[j]], add=True)

    plsc.subcore_barrier()
    pltpu.sync_copy(acc_sh.at[pl.ds(s * 40, 40)],
                    out_hbm.at[pl.ds(c * 640 + s * 40, 40)])


@jax.jit
def _sc_deg(dst, idr):
    return pl.kernel(
        _sc_deg_body,
        out_type=jax.ShapeDtypeStruct((2 * 640, 16), jnp.float32),
        mesh=_mesh(),
        compiler_params=_sc_params(),
        scratch_types=[
            pltpu.VMEM((DPT,), jnp.int32),
            pltpu.VMEM((640, 16), jnp.float32),
            pltpu.VMEM((5, 128), jnp.int32),
            pltpu.VMEM((40, 16), jnp.float32),
            pltpu.VMEM_SHARED((640, 16), jnp.float32),
            pltpu.SemaphoreType.DMA,
        ],
    )(dst, idr)


HH = H // 2


def _sc_agg_body(tabA, tabB, srcp_hbm, dstp_hbm, outA, outB,
                 sidx_v, didx_v, rows, zb, semg, sems, acc_sh, tab_sh):
    c = lax.axis_index("c")
    s = lax.axis_index("s")
    wid = s * NC + c
    rpt = NP // NS
    NB = 4

    pltpu.sync_copy(srcp_hbm.at[wid], sidx_v)
    pltpu.sync_copy(dstp_hbm.at[wid], didx_v)

    @pl.loop(0, BLK)
    def _zrow(i):
        @pl.loop(0, HH, step=16)
        def _zcol(k):
            zb[i, pl.ds(k, 16)] = jnp.zeros((16,), jnp.float32)

    for tab_hbm, out_hbm in ((tabA, outA), (tabB, outB)):
        tab_sp = tab_sh
        pltpu.sync_copy(tab_hbm.at[pl.ds(s * rpt, rpt)],
                        tab_sp.at[pl.ds(s * rpt, rpt)])

        @pl.loop(0, rpt, step=BLK)
        def _zacc(r):
            pltpu.sync_copy(zb, acc_sh.at[pl.ds(s * rpt + r, BLK)])

        plsc.subcore_barrier()

        def gather(k, b, tab_sp=tab_sp):
            pltpu.async_copy(tab_sp.at[sidx_v.at[k]], rows.at[b], semg[b])

        def wait_gather(k, b, tab_sp=tab_sp):
            pltpu.make_async_copy(tab_sp.at[sidx_v.at[k]], rows.at[b],
                                  semg[b]).wait()

        def scat(k, b):
            pltpu.async_copy(rows.at[b], acc_sh.at[didx_v.at[k]], sems[b],
                             add=True)

        def wait_scat(k, b):
            pltpu.make_async_copy(rows.at[b], acc_sh.at[didx_v.at[k]],
                                  sems[b]).wait()

        gather(0, 0)
        gather(1, 1)

        @pl.loop(0, NBLK, step=NB)
        def _edges(j):
            for b in range(NB):
                k = j + b
                gb = (b + 2) % NB

                @pl.when(k - 2 >= 0)
                def _():
                    wait_scat(k - 2, gb)

                @pl.when(k + 2 < NBLK)
                def _():
                    gather(k + 2, gb)

                wait_gather(k, b)
                scat(k, b)

        for k in (NBLK - 2, NBLK - 1):
            wait_scat(k, k % NB)

        plsc.subcore_barrier()
        pltpu.sync_copy(acc_sh.at[pl.ds(s * rpt, rpt)],
                        out_hbm.at[pl.ds(c * NP + s * rpt, rpt)])
        plsc.subcore_barrier()


@jax.jit
def _sc_agg(tabA, tabB, srcp, dstp):
    return pl.kernel(
        _sc_agg_body,
        out_type=(jax.ShapeDtypeStruct((2 * NP, HH), jnp.float32),
                  jax.ShapeDtypeStruct((2 * NP, HH), jnp.float32)),
        mesh=_mesh(),
        compiler_params=_sc_params(),
        scratch_types=[
            pltpu.VMEM((NBLK, BLK), jnp.int32),
            pltpu.VMEM((NBLK, BLK), jnp.int32),
            pltpu.VMEM((4, BLK, HH), jnp.float32),
            pltpu.VMEM((BLK, HH), jnp.float32),
            [pltpu.SemaphoreType.DMA] * 4,
            [pltpu.SemaphoreType.DMA] * 4,
            pltpu.VMEM_SHARED((NP, HH), jnp.float32),
            pltpu.VMEM_SHARED((NP, HH), jnp.float32),
        ],
    )(tabA, tabB, srcp, dstp)


def _mm_body(x_ref, w_ref, o_ref):
    o_ref[...] = jnp.dot(x_ref[...], w_ref[...],
                         preferred_element_type=jnp.float32)


def _tc_mm(x, w):
    m, k = x.shape
    _, n = w.shape
    return pl.pallas_call(
        _mm_body,
        grid=(m // RB,),
        in_specs=[pl.BlockSpec((RB, k), lambda i: (i, 0)),
                  pl.BlockSpec((k, n), lambda i: (0, 0))],
        out_specs=pl.BlockSpec((RB, n), lambda i: (i, 0)),
        out_shape=jax.ShapeDtypeStruct((m, n), jnp.float32),
    )(x, w)


def _dinv_body(dp_ref, o_ref):
    deg = dp_ref[0] + dp_ref[1] + 1.0
    r = lax.broadcasted_iota(jnp.int32, (80, 128), 0)
    cidx = lax.broadcasted_iota(jnp.int32, (80, 128), 1)
    nid = r * 128 + cidx
    o_ref[...] = jnp.where(nid < N, lax.rsqrt(deg), 0.0)


def _tc_dinv(degp):
    return pl.pallas_call(
        _dinv_body,
        out_shape=jax.ShapeDtypeStruct((80, 128), jnp.float32),
    )(degp)


def _scale_body(m_ref, d_ref, oa_ref, ob_ref):
    v = m_ref[...] * d_ref[...]
    oa_ref[...] = v[:, :HH]
    ob_ref[...] = v[:, HH:]


def _tc_scale(m, dcol):
    return pl.pallas_call(
        _scale_body,
        grid=(NRB,),
        in_specs=[pl.BlockSpec((RB, H), lambda i: (i, 0)),
                  pl.BlockSpec((RB, 1), lambda i: (i, 0))],
        out_specs=[pl.BlockSpec((RB, HH), lambda i: (i, 0)),
                   pl.BlockSpec((RB, HH), lambda i: (i, 0))],
        out_shape=[jax.ShapeDtypeStruct((NP, HH), jnp.float32),
                   jax.ShapeDtypeStruct((NP, HH), jnp.float32)],
    )(m, dcol)


def _accum_out(aa0, aa1, ab0, ab1, hpa, hpb, d, b, i):
    agg = jnp.concatenate([aa0 + aa1 + hpa, ab0 + ab1 + hpb], axis=1)
    v = agg * d + b
    rid = lax.broadcasted_iota(jnp.int32, (RB, 1), 0) + i * RB
    return jnp.where(rid < N, v, 0.0)


def _bn_coeffs(st_ref, prm_ref, grow, berow):
    mu = st_ref[0:1, :] * (1.0 / N)
    var = st_ref[1:2, :] * (1.0 / N) - mu * mu
    istd = lax.rsqrt(var + EPS)
    g = prm_ref[grow:grow + 1, :H]
    be = prm_ref[berow:berow + 1, :H]
    return mu, istd * g, be


def _mid_body(aa0_ref, aa1_ref, ab0_ref, ab1_ref, hpa_ref, hpb_ref, d_ref,
              prm_ref, w_ref, oa_ref, ob_ref, o1_ref, st_ref, *, brow):
    i = pl.program_id(0)

    @pl.when(i < NRB)
    def _():
        b = prm_ref[brow:brow + 1, :H]
        v = _accum_out(aa0_ref[...], aa1_ref[...], ab0_ref[...], ab1_ref[...],
                       hpa_ref[...], hpb_ref[...], d_ref[...], b, i)
        o1_ref[pl.ds(i * RB, RB), :] = v
        srow = jnp.sum(v, axis=0, keepdims=True)
        qrow = jnp.sum(v * v, axis=0, keepdims=True)
        st = jnp.concatenate(
            [srow, qrow, jnp.zeros((6, H), jnp.float32)], axis=0)

        @pl.when(i == 0)
        def _():
            st_ref[...] = st

        @pl.when(i > 0)
        def _():
            st_ref[...] = st_ref[...] + st

    @pl.when(i >= NRB)
    def _():
        mu, a, be = _bn_coeffs(st_ref, prm_ref, brow + 1, brow + 2)
        h = jnp.maximum((o1_ref[pl.ds((i - NRB) * RB, RB), :] - mu) * a + be,
                        0.0)
        v = jnp.dot(h, w_ref[...],
                    preferred_element_type=jnp.float32) * d_ref[...]
        oa_ref[...] = v[:, :HH]
        ob_ref[...] = v[:, HH:]


def _tc_mid(accpa, accpb, hpa, hpb, dcol, prm, w, brow):
    j = lambda i: jnp.where(i < NRB, i, i - NRB)
    jp = lambda i: jnp.where(i < NRB, i, 0)
    jo = lambda i: jnp.where(i < NRB, 0, i - NRB)
    return pl.pallas_call(
        functools.partial(_mid_body, brow=brow),
        grid=(2 * NRB,),
        in_specs=[pl.BlockSpec((RB, HH), lambda i: (jp(i), 0)),
                  pl.BlockSpec((RB, HH), lambda i: (NRB + jp(i), 0)),
                  pl.BlockSpec((RB, HH), lambda i: (jp(i), 0)),
                  pl.BlockSpec((RB, HH), lambda i: (NRB + jp(i), 0)),
                  pl.BlockSpec((RB, HH), lambda i: (jp(i), 0)),
                  pl.BlockSpec((RB, HH), lambda i: (jp(i), 0)),
                  pl.BlockSpec((RB, 1), lambda i: (j(i), 0)),
                  pl.BlockSpec((8, 128), lambda i: (0, 0)),
                  pl.BlockSpec((H, H), lambda i: (0, 0))],
        out_specs=[pl.BlockSpec((RB, HH), lambda i: (jo(i), 0)),
                   pl.BlockSpec((RB, HH), lambda i: (jo(i), 0))],
        out_shape=[jax.ShapeDtypeStruct((NP, HH), jnp.float32),
                   jax.ShapeDtypeStruct((NP, HH), jnp.float32)],
        scratch_shapes=[pltpu.VMEM((NP, H), jnp.float32),
                        pltpu.VMEM((8, H), jnp.float32)],
    )(accpa, accpa, accpb, accpb, hpa, hpb, dcol, prm, w)


def _tail_body(aa0_ref, aa1_ref, ab0_ref, ab1_ref, hpa_ref, hpb_ref, d_ref,
               prm_ref, bt_ref, o_ref, o2_ref, st_ref, cnt_ref):
    i = pl.program_id(0)

    @pl.when(i < NRB)
    def _():
        b = prm_ref[3:4, :H]
        v = _accum_out(aa0_ref[...], aa1_ref[...], ab0_ref[...], ab1_ref[...],
                       hpa_ref[...], hpb_ref[...], d_ref[...], b, i)
        o2_ref[pl.ds(i * RB, RB), :] = v
        srow = jnp.sum(v, axis=0, keepdims=True)
        qrow = jnp.sum(v * v, axis=0, keepdims=True)
        st = jnp.concatenate(
            [srow, qrow, jnp.zeros((6, H), jnp.float32)], axis=0)

        @pl.when(i == 0)
        def _():
            st_ref[...] = st

        @pl.when(i > 0)
        def _():
            st_ref[...] = st_ref[...] + st

    @pl.when(i >= NRB)
    def _():
        mu, a, be = _bn_coeffs(st_ref, prm_ref, 4, 5)
        h = jnp.maximum((o2_ref[pl.ds((i - NRB) * RB, RB), :] - mu) * a + be,
                        0.0)
        b = bt_ref[0, 0, :]
        gid = lax.broadcasted_iota(jnp.int32, (G, RB), 0)
        oh = jnp.where(gid == b[None, :], 1.0, 0.0)
        ps = jnp.dot(oh, h, preferred_element_type=jnp.float32)
        cnt = jnp.broadcast_to(jnp.sum(oh, axis=1, keepdims=True), (G, H))

        @pl.when(i == NRB)
        def _():
            o_ref[...] = ps
            cnt_ref[...] = cnt

        @pl.when(i > NRB)
        def _():
            o_ref[...] = o_ref[...] + ps
            cnt_ref[...] = cnt_ref[...] + cnt

        @pl.when(i == 2 * NRB - 1)
        def _():
            o_ref[...] = o_ref[...] / jnp.maximum(cnt_ref[...], 1.0)


def _tc_tail(accpa, accpb, hpa, hpb, dcol, prm, bt):
    j = lambda i: jnp.where(i < NRB, i, i - NRB)
    jp = lambda i: jnp.where(i < NRB, i, 0)
    return pl.pallas_call(
        _tail_body,
        grid=(2 * NRB,),
        in_specs=[pl.BlockSpec((RB, HH), lambda i: (jp(i), 0)),
                  pl.BlockSpec((RB, HH), lambda i: (NRB + jp(i), 0)),
                  pl.BlockSpec((RB, HH), lambda i: (jp(i), 0)),
                  pl.BlockSpec((RB, HH), lambda i: (NRB + jp(i), 0)),
                  pl.BlockSpec((RB, HH), lambda i: (jp(i), 0)),
                  pl.BlockSpec((RB, HH), lambda i: (jp(i), 0)),
                  pl.BlockSpec((RB, 1), lambda i: (jp(i), 0)),
                  pl.BlockSpec((8, 128), lambda i: (0, 0)),
                  pl.BlockSpec((1, 1, RB), lambda i: (j(i), 0, 0))],
        out_specs=pl.BlockSpec((G, H), lambda i: (0, 0)),
        out_shape=jax.ShapeDtypeStruct((G, H), jnp.float32),
        scratch_shapes=[pltpu.VMEM((NP, H), jnp.float32),
                        pltpu.VMEM((8, H), jnp.float32),
                        pltpu.VMEM((G, H), jnp.float32)],
    )(accpa, accpa, accpb, accpb, hpa, hpb, dcol, prm, bt)


def kernel(x, ei, batch, W1, b1, g1, be1, W2, b2, g2, be2):
    src = ei[0].astype(jnp.int32)
    dst = ei[1].astype(jnp.int32)
    srcp = jnp.concatenate(
        [src, jnp.zeros((EP - E,), jnp.int32)]).reshape(NW, NBLK, BLK)
    dstp = jnp.concatenate(
        [dst, jnp.full((EP - E,), N, jnp.int32)]).reshape(NW, NBLK, BLK)
    x_pad = jnp.pad(x, ((0, NP - N), (0, 0)))
    bt = jnp.concatenate(
        [batch.astype(jnp.int32),
         jnp.full((NP - N,), G, jnp.int32)]).reshape(NRB, 1, RB)
    idr = jnp.arange(640, dtype=jnp.int32).reshape(5, 128)
    prm = jnp.pad(jnp.stack([b1, g1, be1, b2, g2, be2,
                             jnp.zeros_like(b1), jnp.zeros_like(b1)]),
                  ((0, 0), (0, 128 - H)))

    degp = _sc_deg(dst, idr)
    mm1 = _tc_mm(x_pad, W1)
    dinv = _tc_dinv(degp.reshape(2, 80, 128))
    dcol = dinv.reshape(NP)[:, None]

    h1pa, h1pb = _tc_scale(mm1, dcol)
    a1a, a1b = _sc_agg(h1pa, h1pb, srcp, dstp)
    h2pa, h2pb = _tc_mid(a1a, a1b, h1pa, h1pb, dcol, prm, W2, brow=0)
    a2a, a2b = _sc_agg(h2pa, h2pb, srcp, dstp)
    return _tc_tail(a2a, a2b, h2pa, h2pb, dcol, prm, bt)

# --- scband reference (transcript-rebuilt; emitter-appended) ---
"""Pipeline reference for scband-gcnencoder-35519379538031 (READ-ONLY COPY).

The authoritative reference and input builder live on the scoring server;
editing this copy changes nothing except your own understanding.
"""

import jax, jax.numpy as jnp
import numpy as np

N_NODES = 10000
N_EDGES = 320000
IN_FEATS = 128
HIDDEN = 64
N_GRAPHS = 16
EPS = 1e-5


def _gcn_conv(x, src, dst, W, b, n):
    h = x @ W
    deg = jax.ops.segment_sum(jnp.ones_like(dst, dtype=h.dtype), dst, num_segments=n)
    dinv = jnp.where(deg > 0, deg ** -0.5, 0.0)
    norm = (dinv[src] * dinv[dst])[:, None]
    msg = h[src] * norm
    out = jax.ops.segment_sum(msg, dst, num_segments=n)
    return out + b


def _batch_norm(x, gamma, beta):
    mu = jnp.mean(x, axis=0)
    var = jnp.var(x, axis=0)
    return (x - mu) / jnp.sqrt(var + EPS) * gamma + beta


def setup_inputs(seed: int = 0) -> dict:
    key = jax.random.key(seed)
    ks = jax.random.split(key, 8)
    x = jax.random.normal(ks[0], (N_NODES, IN_FEATS), dtype=jnp.float32)
    ei = jax.random.randint(ks[1], (2, N_EDGES), 0, N_NODES, dtype=jnp.int64)
    batch = jnp.sort(jax.random.randint(ks[2], (N_NODES,), 0, N_GRAPHS, dtype=jnp.int64))
    W1 = jax.random.normal(ks[3], (IN_FEATS, HIDDEN), dtype=jnp.float32) * (1.0 / np.sqrt(IN_FEATS))
    b1 = jnp.zeros((HIDDEN,), dtype=jnp.float32)
    g1 = jnp.ones((HIDDEN,), dtype=jnp.float32)
    be1 = jnp.zeros((HIDDEN,), dtype=jnp.float32)
    W2 = jax.random.normal(ks[4], (HIDDEN, HIDDEN), dtype=jnp.float32) * (1.0 / np.sqrt(HIDDEN))
    b2 = jnp.zeros((HIDDEN,), dtype=jnp.float32)
    g2 = jnp.ones((HIDDEN,), dtype=jnp.float32)
    be2 = jnp.zeros((HIDDEN,), dtype=jnp.float32)
    return {"x": x, "ei": ei, "batch": batch, "W1": W1, "b1": b1, "g1": g1, "be1": be1, "W2": W2, "b2": b2, "g2": g2, "be2": be2}


def reference(x, ei, batch, W1, b1, g1, be1, W2, b2, g2, be2):
    n = x.shape[0]
    loops = jnp.arange(n, dtype=ei.dtype)
    src = jnp.concatenate([ei[0], loops])
    dst = jnp.concatenate([ei[1], loops])
    h = _gcn_conv(x, src, dst, W1, b1, n)
    h = jax.nn.relu(_batch_norm(h, g1, be1))
    # dropout is a no-op in eval mode
    h = _gcn_conv(h, src, dst, W2, b2, n)
    h = jax.nn.relu(_batch_norm(h, g2, be2))
    sums = jax.ops.segment_sum(h, batch, num_segments=N_GRAPHS)
    counts = jax.ops.segment_sum(jnp.ones((n,), dtype=h.dtype), batch, num_segments=N_GRAPHS)
    return sums / jnp.clip(counts, 1.0, None)[:, None]

if __name__ == "__main__":
    import jax
    _d = setup_inputs()
    print(jax.jit(kernel)(*tuple(_d.values())))

</pallas_src>

<mosaic_0001>
#map = affine_map<(d0, d1) -> (0)>
#map1 = affine_map<(d0, d1) -> (0, 0)>
module attributes {stable_mosaic.version = 14 : i64} {
  func.func @_sc_deg_body(%arg0: i32, %arg1: i32, %arg2: memref<320000xi32, #tpu.memory_space<hbm>>, %arg3: memref<5x128xi32, #tpu.memory_space<hbm>>, %arg4: memref<1280x16xf32, #tpu.memory_space<hbm>>, %arg5: memref<10000xi32, #tpu.memory_space<vmem>>, %arg6: memref<640x16xf32, #tpu.memory_space<vmem>>, %arg7: memref<5x128xi32, #tpu.memory_space<vmem>>, %arg8: memref<40x16xf32, #tpu.memory_space<vmem>>, %arg9: memref<640x16xf32, #tpu.memory_space<vmem_shared>>, %arg10: memref<!tpu.dma_semaphore, #tpu.memory_space<semaphore_mem>>) attributes {dimension_semantics = [#tpu.dimension_semantics<core_parallel>, #tpu.dimension_semantics<subcore_parallel>], iteration_bounds = array<i64: 2, 16>, scalar_prefetch = 0 : i64, scratch_operands = 6 : i64, tpu.core_type = #tpu.core_type<sc_vector_subcore>, window_params = [{transform_indices = #map}, {transform_indices = #map1}, {transform_indices = #map1}]} {
    %mul3A = arith.constant 2 : i32
    %mul3A_0 = arith.muli %arg1, %mul3A : i32
    %add3A = arith.addi %mul3A_0, %arg0 : i32
    %broadcast_in_dim3A = arith.constant 0.000000e+00 : f32
    %broadcast_in_dim3A_1 = vector.broadcast %broadcast_in_dim3A : f32 to vector<16xf32>
    %scan3A = arith.constant 0 : i32
    %scan3A_2 = arith.constant 640 : i32
    %scan3A_3 = arith.addi %scan3A, %scan3A_2 : i32
    %scan3A_4 = arith.constant 1 : i32
    scf.for %scan3A_35 = %scan3A to %scan3A_3 step %scan3A_4  : i32 {
      %mul3A_36 = arith.constant 1 : i32
      %mul3A_37 = arith.muli %scan3A_35, %mul3A_36 : i32
      %add3A_38 = arith.constant 0 : i32
      %add3A_39 = arith.addi %add3A_38, %mul3A_37 : i32
      %swap3A = arith.index_cast %add3A_39 : i32 to index
      %swap3A_40 = arith.constant 0 : index
      %swap3A_41 = tpu.vector_load %arg6[%swap3A, %swap3A_40] {strides = array<i32>} : memref<640x16xf32, #tpu.memory_space<vmem>>, vector<16xf32>,
      tpu.vector_store %arg6[%swap3A, %swap3A_40], %broadcast_in_dim3A_1 {strides = array<i32>} : memref<640x16xf32, #tpu.memory_space<vmem>>, vector<16xf32>,
    }
    %scan3A_5 = arith.constant 640 : i32
    %scan3A_6 = arith.constant 0 : i32
    %scan3A_7 = arith.constant 40 : i32
    %scan3A_8 = arith.addi %scan3A_6, %scan3A_7 : i32
    %scan3A_9 = arith.constant 1 : i32
    scf.for %scan3A_35 = %scan3A_6 to %scan3A_8 step %scan3A_9  : i32 {
      %mul3A_36 = arith.constant 1 : i32
      %mul3A_37 = arith.muli %scan3A_35, %mul3A_36 : i32
      %add3A_38 = arith.constant 0 : i32
      %add3A_39 = arith.addi %add3A_38, %mul3A_37 : i32
      %swap3A = arith.index_cast %add3A_39 : i32 to index
      %swap3A_40 = arith.constant 0 : index
      %swap3A_41 = tpu.vector_load %arg8[%swap3A, %swap3A_40] {strides = array<i32>} : memref<40x16xf32, #tpu.memory_space<vmem>>, vector<16xf32>,
      tpu.vector_store %arg8[%swap3A, %swap3A_40], %broadcast_in_dim3A_1 {strides = array<i32>} : memref<40x16xf32, #tpu.memory_space<vmem>>, vector<16xf32>,
    }
    %scan3A_10 = arith.constant 40 : i32
    %mul3A_11 = arith.constant 40 : i32
    %mul3A_12 = arith.muli %arg1, %mul3A_11 : i32
    "tpu.region"() ({
      %run_scoped3A = tpu.sem_alloc : memref<!tpu.dma_semaphore, #tpu.memory_space<semaphore_mem>>
      %dma_start3A = arith.constant 0 : i32
      %dma_start3A_35 = tpu.memref_slice %arg9[%mul3A_12, %dma_start3A] : memref<640x16xf32, #tpu.memory_space<vmem_shared>> -> memref<40x16xf32, #tpu.memory_space<vmem_shared>>
      %dma_start3A_36 = arith.constant 0 : i32
      %dma_start3A_37 = tpu.memref_slice %arg9[%mul3A_12, %dma_start3A_36] : memref<640x16xf32, #tpu.memory_space<vmem_shared>> -> memref<40x16xf32, #tpu.memory_space<vmem_shared>>
      tpu.enqueue_dma source(%arg8 : memref<40x16xf32, #tpu.memory_space<vmem>>) target(%dma_start3A_37 : memref<40x16xf32, #tpu.memory_space<vmem_shared>>) target_semaphore(%run_scoped3A : memref<!tpu.dma_semaphore, #tpu.memory_space<semaphore_mem>>)
      %dma_wait3A = arith.constant 0 : i32
      %dma_wait3A_38 = tpu.memref_slice %arg9[%mul3A_12, %dma_wait3A] : memref<640x16xf32, #tpu.memory_space<vmem_shared>> -> memref<40x16xf32, #tpu.memory_space<vmem_shared>>
      %dma_wait3A_39 = arith.constant 0 : i32
      %dma_wait3A_40 = tpu.memref_slice %arg9[%mul3A_12, %dma_wait3A_39] : memref<640x16xf32, #tpu.memory_space<vmem_shared>> -> memref<40x16xf32, #tpu.memory_space<vmem_shared>>
      tpu.wait_dma2 semaphore(%run_scoped3A : memref<!tpu.dma_semaphore, #tpu.memory_space<semaphore_mem>>) src(%arg8 : memref<40x16xf32, #tpu.memory_space<vmem>>) dst(%dma_wait3A_40 : memref<40x16xf32, #tpu.memory_space<vmem_shared>>)
      tpu.yield
    }) : () -> ()
    %mul3A_13 = arith.constant 10000 : i32
    %mul3A_14 = arith.muli %add3A, %mul3A_13 : i32
    "tpu.region"() ({
      %run_scoped3A = tpu.sem_alloc : memref<!tpu.dma_semaphore, #tpu.memory_space<semaphore_mem>>
      %dma_start3A = tpu.memref_slice %arg2[%mul3A_14] : memref<320000xi32, #tpu.memory_space<hbm>> -> memref<10000xi32, #tpu.memory_space<hbm>>
      %dma_start3A_35 = tpu.memref_slice %arg2[%mul3A_14] : memref<320000xi32, #tpu.memory_space<hbm>> -> memref<10000xi32, #tpu.memory_space<hbm>>
      tpu.enqueue_dma source(%dma_start3A_35 : memref<10000xi32, #tpu.memory_space<hbm>>) target(%arg5 : memref<10000xi32, #tpu.memory_space<vmem>>) target_semaphore(%run_scoped3A : memref<!tpu.dma_semaphore, #tpu.memory_space<semaphore_mem>>)
      %dma_wait3A = tpu.memref_slice %arg2[%mul3A_14] : memref<320000xi32, #tpu.memory_space<hbm>> -> memref<10000xi32, #tpu.memory_space<hbm>>
      %dma_wait3A_36 = tpu.memref_slice %arg2[%mul3A_14] : memref<320000xi32, #tpu.memory_space<hbm>> -> memref<10000xi32, #tpu.memory_space<hbm>>
      tpu.wait_dma2 semaphore(%run_scoped3A : memref<!tpu.dma_semaphore, #tpu.memory_space<semaphore_mem>>) src(%dma_wait3A_36 : memref<10000xi32, #tpu.memory_space<hbm>>) dst(%arg5 : memref<10000xi32, #tpu.memory_space<vmem>>)
      tpu.yield
    }) : () -> ()
    "tpu.region"() ({
      %run_scoped3A = tpu.sem_alloc : memref<!tpu.dma_semaphore, #tpu.memory_space<semaphore_mem>>
      tpu.enqueue_dma source(%arg3 : memref<5x128xi32, #tpu.memory_space<hbm>>) target(%arg7 : memref<5x128xi32, #tpu.memory_space<vmem>>) target_semaphore(%run_scoped3A : memref<!tpu.dma_semaphore, #tpu.memory_space<semaphore_mem>>)
      tpu.wait_dma2 semaphore(%run_scoped3A : memref<!tpu.dma_semaphore, #tpu.memory_space<semaphore_mem>>) src(%arg3 : memref<5x128xi32, #tpu.memory_space<hbm>>) dst(%arg7 : memref<5x128xi32, #tpu.memory_space<vmem>>)
      tpu.yield
    }) : () -> ()
    %barrier3A = arith.constant 0 : index
    tpu.barrier barrier_id(%barrier3A)
    %broadcast_in_dim3A_15 = arith.constant 1.000000e+00 : f32
    %broadcast_in_dim3A_16 = vector.broadcast %broadcast_in_dim3A_15 : f32 to vector<16xf32>
    %scan3A_17 = arith.constant 0 : i32
    %scan3A_18 = arith.constant 625 : i32
    %scan3A_19 = arith.addi %scan3A_17, %scan3A_18 : i32
    %scan3A_20 = arith.constant 1 : i32
    scf.for %scan3A_35 = %scan3A_17 to %scan3A_19 step %scan3A_20  : i32 {
      %mul3A_36 = arith.constant 1 : i32
      %mul3A_37 = arith.muli %scan3A_35, %mul3A_36 : i32
      %add3A_38 = arith.constant 0 : i32
      %add3A_39 = arith.addi %add3A_38, %mul3A_37 : i32
      %mul3A_40 = arith.constant 16 : i32
      %mul3A_41 = arith.muli %add3A_39, %mul3A_40 : i32
      %get3A = arith.index_cast %mul3A_41 : i32 to index
      %get3A_42 = tpu.vector_load %arg5[%get3A] {strides = array<i32>} : memref<10000xi32, #tpu.memory_space<vmem>>, vector<16xi32>,
      %shift_right_logical3A = arith.constant 4 : i32
      %shift_right_logical3A_43 = vector.broadcast %shift_right_logical3A : i32 to vector<16xi32>
      %shift_right_logical3A_44 = arith.shrui %get3A_42, %shift_right_logical3A_43 : vector<16xi32>
      %and3A = arith.constant 15 : i32
      %and3A_45 = vector.broadcast %and3A : i32 to vector<16xi32>
      %and3A_46 = arith.andi %get3A_42, %and3A_45 : vector<16xi32>
      tpu.vector_store_idx %arg6[%shift_right_logical3A_44, %and3A_46], %broadcast_in_dim3A_16 {add = true} : memref<640x16xf32, #tpu.memory_space<vmem>>[vector<16xi32>, vector<16xi32>], vector<16xf32>,
    }
    %scan3A_21 = arith.constant 625 : i32
    %scan3A_22 = arith.constant 0 : i32
    %scan3A_23 = arith.constant 5 : i32
    %scan3A_24 = arith.addi %scan3A_22, %scan3A_23 : i32
    %scan3A_25 = arith.constant 1 : i32
    scf.for %scan3A_35 = %scan3A_22 to %scan3A_24 step %scan3A_25  : i32 {
      %mul3A_36 = arith.constant 1 : i32
      %mul3A_37 = arith.muli %scan3A_35, %mul3A_36 : i32
      %add3A_38 = arith.constant 0 : i32
      %add3A_39 = arith.addi %add3A_38, %mul3A_37 : i32
      %mul3A_40 = arith.constant 128 : i32
      %mul3A_41 = arith.muli %add3A_39, %mul3A_40 : i32
      "tpu.region"() ({
        %run_scoped3A = tpu.sem_alloc : memref<!tpu.dma_semaphore, #tpu.memory_space<semaphore_mem>>
        %dma_start3A = arith.constant 0 : i32
        %dma_start3A_42 = tpu.memref_slice %arg6[%mul3A_41, %dma_start3A] : memref<640x16xf32, #tpu.memory_space<vmem>> -> memref<128x16xf32, #tpu.memory_space<vmem>>
        %dma_start3A_43 = arith.constant 0 : i32
        %dma_start3A_44 = tpu.memref_slice %arg7[%add3A_39, %dma_start3A_43] : memref<5x128xi32, #tpu.memory_space<vmem>> -> memref<1x128xi32, #tpu.memory_space<vmem>>
        %dma_start3A_45 = tpu.memref_squeeze %dma_start3A_44 : memref<1x128xi32, #tpu.memory_space<vmem>> -> memref<128xi32, #tpu.memory_space<vmem>>
        %dma_start3A_46 = arith.constant 0 : i32
        %dma_start3A_47 = arith.constant 0 : i32
        %dma_start3A_48 = tpu.memref_slice %arg9[%dma_start3A_46, %dma_start3A_47] : memref<640x16xf32, #tpu.memory_space<vmem_shared>> -> memref<640x16xf32, #tpu.memory_space<vmem_shared>>
        tpu.enqueue_indirect_dma source(%dma_start3A_42 : memref<128x16xf32, #tpu.memory_space<vmem>>) target(%dma_start3A_48 : memref<640x16xf32, #tpu.memory_space<vmem_shared>>) offsets(%dma_start3A_45 : memref<128xi32, #tpu.memory_space<vmem>>) semaphore(%run_scoped3A : memref<!tpu.dma_semaphore, #tpu.memory_space<semaphore_mem>>) {add = true}
        %dma_wait3A = arith.constant 0 : i32
        %dma_wait3A_49 = tpu.memref_slice %arg6[%mul3A_41, %dma_wait3A] : memref<640x16xf32, #tpu.memory_space<vmem>> -> memref<128x16xf32, #tpu.memory_space<vmem>>
        %dma_wait3A_50 = arith.constant 0 : i32
        %dma_wait3A_51 = tpu.memref_slice %arg7[%add3A_39, %dma_wait3A_50] : memref<5x128xi32, #tpu.memory_space<vmem>> -> memref<1x128xi32, #tpu.memory_space<vmem>>
        %dma_wait3A_52 = tpu.memref_squeeze %dma_wait3A_51 : memref<1x128xi32, #tpu.memory_space<vmem>> -> memref<128xi32, #tpu.memory_space<vmem>>
        %dma_wait3A_53 = arith.constant 0 : i32
        %dma_wait3A_54 = arith.constant 0 : i32
        %dma_wait3A_55 = tpu.memref_slice %arg9[%dma_wait3A_53, %dma_wait3A_54] : memref<640x16xf32, #tpu.memory_space<vmem_shared>> -> memref<640x16xf32, #tpu.memory_space<vmem_shared>>
        tpu.wait_indirect_dma semaphore(%run_scoped3A : memref<!tpu.dma_semaphore, #tpu.memory_space<semaphore_mem>>) src(%dma_wait3A_49 : memref<128x16xf32, #tpu.memory_space<vmem>>) dst(%dma_wait3A_55 : memref<640x16xf32, #tpu.memory_space<vmem_shared>>)
        tpu.yield
      }) : () -> ()
    }
    %scan3A_26 = arith.constant 5 : i32
    %barrier3A_27 = arith.constant 0 : index
    tpu.barrier barrier_id(%barrier3A_27)
    %mul3A_28 = arith.constant 40 : i32
    %mul3A_29 = arith.muli %arg1, %mul3A_28 : i32
    %mul3A_30 = arith.constant 640 : i32
    %mul3A_31 = arith.muli %arg0, %mul3A_30 : i32
    %mul3A_32 = arith.constant 40 : i32
    %mul3A_33 = arith.muli %arg1, %mul3A_32 : i32
    %add3A_34 = arith.addi %mul3A_31, %mul3A_33 : i32
    "tpu.region"() ({
      %run_scoped3A = tpu.sem_alloc : memref<!tpu.dma_semaphore, #tpu.memory_space<semaphore_mem>>
      %dma_start3A = arith.constant 0 : i32
      %dma_start3A_35 = tpu.memref_slice %arg4[%add3A_34, %dma_start3A] : memref<1280x16xf32, #tpu.memory_space<hbm>> -> memref<40x16xf32, #tpu.memory_space<hbm>>
      %dma_start3A_36 = arith.constant 0 : i32
      %dma_start3A_37 = tpu.memref_slice %arg9[%mul3A_29, %dma_start3A_36] : memref<640x16xf32, #tpu.memory_space<vmem_shared>> -> memref<40x16xf32, #tpu.memory_space<vmem_shared>>
      tpu.enqueue_dma source(%dma_start3A_37 : memref<40x16xf32, #tpu.memory_space<vmem_shared>>) target(%dma_start3A_35 : memref<40x16xf32, #tpu.memory_space<hbm>>) target_semaphore(%run_scoped3A : memref<!tpu.dma_semaphore, #tpu.memory_space<semaphore_mem>>)
      %dma_wait3A = arith.constant 0 : i32
      %dma_wait3A_38 = tpu.memref_slice %arg4[%add3A_34, %dma_wait3A] : memref<1280x16xf32, #tpu.memory_space<hbm>> -> memref<40x16xf32, #tpu.memory_space<hbm>>
      %dma_wait3A_39 = arith.constant 0 : i32
      %dma_wait3A_40 = tpu.memref_slice %arg9[%mul3A_29, %dma_wait3A_39] : memref<640x16xf32, #tpu.memory_space<vmem_shared>> -> memref<40x16xf32, #tpu.memory_space<vmem_shared>>
      tpu.wait_dma2 semaphore(%run_scoped3A : memref<!tpu.dma_semaphore, #tpu.memory_space<semaphore_mem>>) src(%dma_wait3A_40 : memref<40x16xf32, #tpu.memory_space<vmem_shared>>) dst(%dma_wait3A_38 : memref<40x16xf32, #tpu.memory_space<hbm>>)
      tpu.yield
    }) : () -> ()
    return
  }
}

</mosaic_0001>

<sc_bundles>
// kernel: _sc_deg.3.cloned.1.call-start
scs
__scs_entry_jumppad:
0x0: {  	(pc) =	sbr.rel $0x88, $3  }
0x1: {  	(tag) =	ssettag $0x0;
	lr =	simm.s32 $0x1  }
0x2: {  	[smem:$0x3F9F] =	sst lr;
	_ =	strace $0xD0000000  }
0x3: {  	_ = 	snop  }
0x4: {  	_ = 	snop  }
0x5: {  	_ = 	snop  }
0x6: {  	_ = 	snop  }
0x7: {  	_ = 	snop  }
__scs_overlays_trampoline_lowered:
0x8: {  	[smem:$0x3FAE] =	sst s0  }
0x9: {  	[smem:$0x3FAF] =	sst s1  }
0xa: {  	[smem:$0x3FB0] =	sst s2  }
0xb: {  	[smem:$0x3FB1] =	sst s3  }
0xc: {  	[smem:$0x3FB2] =	sst s4  }
0xd: {  	[smem:$0x3FB3] =	sst s5  }
0xe: {  	[smem:$0x3FB4] =	sst s6  }
0xf: {  	[smem:$0x3FB5] =	sst s7  }
0x10: {  	[smem:$0x3FB6] =	sst s8  }
0x11: {  	[smem:$0x3FB7] =	sst s9;
	s0 =	simm.s32 @!p0 $0x0  }
0x12: {  	s1 =	sld [smem:$0x3F9D];
	s0 =	simm.s32 @p0 $0x1  }
0x13: {  	[smem:$0x3FB8] =	sst s0;
	s0 =	simm.s32 @!p1 $0x0  }
0x14: {  	s2 =	sld [smem:$0x3F9C];
	s0 =	simm.s32 @p1 $0x1  }
0x15: {  	[smem:$0x3FB9] =	sst s0;
	s0 =	simm.s32 @!p2 $0x0  }
0x16: {  	s3 =	sld [smem:$0x3FDB];
	s0 =	simm.s32 @p2 $0x1  }
0x17: {  	s4 =	simm.s32 $0x1BF5;
	[smem:$0x3FBB] =	sst s0  }
0x18: {  	s0 =	sld [smem:$0x3F9E];
	_ =	swait.ge [sflag:s4], $0x0  }
0x19: {  	s7 =	sld [smem:$0x3F9F]  }
0x1a: {  	s8 =	sadd.s32 $0xFFFFE003, lr  }
0x1b: {  	s9 =	sadd.s32 $0xFFFFFEF7, lr;
	s5 =	simm.s32 $0xFFFFFFFF;
	p2 =	slt.u32 s8, $0xFFFFF086  }
0x1c: {  	p1 =	slt.u32 s9, $0xF7A;
	s5 =	simm.s32 @!p2 $0x0  }
0x1d: {  	s5 =	simm.s32 @p1 $0x1;
	p0 =	seq.s32 s7, s2  }
0x1e: {  	s7 =	smul.u32 @!p0 $0xF7A, s2;
	p2 =	seq.s32 @!p0 s5, $0x0  }
0x1f: {  	s9 =	smul.u32 $0xF7A, s1;
	s8 =	simm.s32 @!p0 $0x1BF5;
	p2 =	por !p2, p0  }
0x20: {  	[sflag:s8] =	ssyncset.s32 @!p0 $0xFFFFF086;
	s6 =	sadd.s32 @!p0 s3, s7;
	s7 =	simm.s32 @!p0 $0x108  }
0x21: {  	s3 =	sadd.s32 s3, s9;
	s6 =	sadd.s32 @!p0 $0x88, s6;
	s7 =	simm.s32 @p2 $0x1082  }
0x22: {  	[simem:s7], [sflag:s8] =	dma.local @!p0 [hbm:s6], $0xF7A  }
0x23: {  	s9 =	sor.u32 $0xD0000000, s2;
	s6 =	simm.s32 $0x108;
	_ =	swait.ge @!p0 [sflag:s8], $0x0  }
0x24: {  	s3 =	sadd.s32 $0x88, s3;
	s6 =	simm.s32 @!p1 $0x1082;
	[sflag:s4] =	ssyncset.s32 $0xFFFFF086  }
0x25: {  	[simem:s6], [sflag:s4] =	dma.local [hbm:s3], $0xF7A  }
0x26: {  	[smem:$0x3F9F] =	sst s1;
	(tag) =	ssettag s2;
	_ =	strace s9  }
0x27: {  	s1 =	sld [smem:$0x3FAF]  }
0x28: {  	s2 =	sld [smem:$0x3FB0]  }
0x29: {  	s4 =	sld [smem:$0x3FB2]  }
0x2a: {  	p0 =	seq.s32 s5, $0x0;
	s5 =	sld [smem:$0x3FB3]  }
0x2b: {  	s6 =	sld [smem:$0x3FB4]  }
0x2c: {  	s7 =	sld [smem:$0x3FB5]  }
0x2d: {  	s3 =	simm.s32 $0x108;
	s8 =	sld [smem:$0x3FB6]  }
0x2e: {  	s3 =	simm.s32 @!p0 $0x1082;
	s9 =	sld [smem:$0x3FB7]  }
0x2f: {  	lr =	sadd.s32 s0, s3;
	s0 =	sld [smem:$0x3FAE]  }
0x30: {  	s3 =	sld [smem:$0x3FB1]  }
0x31: {  	[smem:$0x3FBA] =	sst s10  }
0x32: {  	s10 =	sld [smem:$0x3FB8];
	_ =	sdelay $0x3  }
0x33: {  	p0 =	seq.s32 s10, $0x1;
	s10 =	sld [smem:$0x3FBA];
	_ =	sdelay $0x3  }
0x34: {  	[smem:$0x3FBA] =	sst s10  }
0x35: {  	s10 =	sld [smem:$0x3FB9];
	_ =	sdelay $0x3  }
0x36: {  	p1 =	seq.s32 s10, $0x1;
	s10 =	sld [smem:$0x3FBA];
	_ =	sdelay $0x3  }
0x37: {  	[smem:$0x3FBA] =	sst s10  }
0x38: {  	s10 =	sld [smem:$0x3FBB]  }
0x39: {  	_ = 	snop;
	(pc) =	sbr.ind lr, $3  }
0x3a: {  	_ = 	snop  }
0x3b: {  	_ = 	snop  }
0x3c: {  	p2 =	seq.s32 s10, $0x1;
	s10 =	sld [smem:$0x3FBA]  }
0x3d: {  	_ =	shalt  }
0x3e: {  	_ =	shalt  }
0x3f: {  	_ =	shalt  }
0x40: {  	_ =	shalt  }
0x41: {  	_ =	shalt  }
0x42: {  	_ =	shalt  }
0x43: {  	_ =	shalt  }
0x44: {  	_ =	shalt  }
0x45: {  	_ =	shalt  }
0x46: {  	_ =	shalt  }
0x47: {  	_ =	shalt  }
0x48: {  	_ =	shalt  }
0x49: {  	_ =	shalt  }
0x4a: {  	_ =	shalt  }
0x4b: {  	_ =	shalt  }
0x4c: {  	_ =	shalt  }
0x4d: {  	_ =	shalt  }
0x4e: {  	_ =	shalt  }
0x4f: {  	_ =	shalt  }
0x50: {  	_ =	shalt  }
0x51: {  	_ =	shalt  }
0x52: {  	_ =	shalt  }
0x53: {  	_ =	shalt  }
0x54: {  	_ =	shalt  }
0x55: {  	_ =	shalt  }
0x56: {  	_ =	shalt  }
0x57: {  	_ =	shalt  }
0x58: {  	_ =	shalt  }
0x59: {  	_ =	shalt  }
0x5a: {  	_ =	shalt  }
0x5b: {  	_ =	shalt  }
0x5c: {  	_ =	shalt  }
0x5d: {  	_ =	shalt  }
0x5e: {  	_ =	shalt  }
0x5f: {  	_ =	shalt  }
0x60: {  	_ =	shalt  }
0x61: {  	_ =	shalt  }
0x62: {  	_ =	shalt  }
0x63: {  	_ =	shalt  }
0x64: {  	_ =	shalt  }
0x65: {  	_ =	shalt  }
0x66: {  	_ =	shalt  }
0x67: {  	_ =	shalt  }
0x68: {  	_ =	shalt  }
0x69: {  	_ =	shalt  }
0x6a: {  	_ =	shalt  }
0x6b: {  	_ =	shalt  }
0x6c: {  	_ =	shalt  }
0x6d: {  	_ =	shalt  }
0x6e: {  	_ =	shalt  }
0x6f: {  	_ =	shalt  }
0x70: {  	_ =	shalt  }
0x71: {  	_ =	shalt  }
0x72: {  	_ =	shalt  }
0x73: {  	_ =	shalt  }
0x74: {  	_ =	shalt  }
0x75: {  	_ =	shalt  }
0x76: {  	_ =	shalt  }
0x77: {  	_ =	shalt  }
0x78: {  	_ =	shalt  }
0x79: {  	_ =	shalt  }
0x7a: {  	_ =	shalt  }
0x7b: {  	_ =	shalt  }
0x7c: {  	_ =	shalt  }
0x7d: {  	_ =	shalt  }
0x7e: {  	_ =	shalt  }
0x7f: {  	_ =	shalt  }
0x80: {  	_ =	shalt  }
0x81: {  	_ =	shalt  }
0x82: {  	_ =	shalt  }
0x83: {  	_ =	shalt  }
0x84: {  	_ =	shalt  }
0x85: {  	_ =	shalt  }
0x86: {  	_ =	shalt  }
0x87: {  	_ =	shalt  }
.Lfunc_end0:
.L_simem_size_0:
called_computation_lowered:
.L_overlay_start_0:
0x88: {  	s2 =	sld [smem:$0x3FD9]  }
0x89: {  	s3 =	sld [smem:$0x3FFE];
	_ =	sdelay $0x1  }
0x8a: {  	s1 =	srdreg.scid  }
0x8b: {  	s0 =	sand.u32 $0x1, s1  }
0x8c: {  	s18 =	sshll.u32 s0, $0xA;
	s2 =	sadd.s32 s3, s2  }
0x8d: {  	s2 =	sadd.s32 s2, s18  }
0x8e: {  	[smem:$0x3FC6] =	sst s2  }
0x8f: {  	_ = 	snop  }
0x90: {  	s2 =	sld [smem:$0x3FC9]  }
0x91: {  	s19 =	sld [smem:$0x3FC8]  }
0x92: {  	s4 =	sld [smem:$0x3FD0];
	(tm) =	ssettm $0x1  }
0x93: {  	s5 =	sld [smem:$0x3FFB];
	_ =	sdelay $0x3  }
0x94: {  	_ =	strace s5  }
0x95: {  	s5 =	sld [smem:$0x3FFC];
	_ =	sdelay $0x3  }
0x96: {  	_ =	strace s5  }
0x97: {  	s5 =	sld [smem:$0x3FFD];
	_ =	sdelay $0x3  }
0x98: {  	_ =	strace s5  }
0x99: {  	_ =	strace $0x8FFFFFFF  }
0x9a: {  	s20 =	sld [smem:$0x3FDB];
	_ =	sdelay $0x1  }
0x9b: {  	s6 =	simm.s32 $_scs_section_size  }
0x9c: {  	s7 =	simm.s32 $_size__tile_overlayer_lowered;
	s8 =	simm.s32 $_tile_overlayer_lowered  }
0x9d: {  	s23 =	simm.s32 $0x1BFF;
	s22 =	sshll.u32 s8, $0x1;
	s5 =	sadd.s32 s6, s20  }
0x9e: {  	s9 =	simm.s32 $0x0;
	s21 =	sshll.u32 s7, $0x1;
	s7 =	sadd.s32 s22, s5  }
0x9f: {  	[timem:s9], [sflag:s23] =	dma.local [hbm:s7], s21  }
0xa0: {  	_ =	swait.ge [sflag:s23], s21  }
0xa1: {  	s6 =	ssub.s32 $0x0, s21;
	[sflag:s23] =	ssyncset.done $0x0  }
0xa2: {  	[sflag:s23] =	ssyncadd.s32 s6;
	_ =	sdelay $0x1  }
0xa3: {  	s24 =	simm.s32 $0x1B8B  }
0xa4: {  	_ =	swait.ge [sflag:s24], $0x1  }
0xa5: {  	[sflag:s24] =	ssyncset.done $0x0  }
0xa6: {  	s25 =	simm.s32 $0x1B8E;
	[sflag:s24] =	ssyncadd.s32 $0xFFFFFFFF  }
0xa7: {  	s26 =	simm.s32 $execute0_lowered;
	[smem:$0x3FD2] =	sst s25  }
0xa8: {  	s6 =	sshll.u32 s26, $0x1;
	_ =	strace $0x80000046;
	[dreg:$0x1] =	wrdreg $0xFFFFFFFF  }
0xa9: {  	s28 =	simm.s32 $_size_execute0_lowered;
	s5 =	sadd.s32 s5, s6;
	[dreg:$0x0] =	wrdreg $0x0  }
0xaa: {  	s6 =	sshll.u32 s28, $0x1;
	[dreg:$0x2] =	wrdreg s5  }
0xab: {  	[dreg:$0x3] =	wrdreg s6  }
0xac: {  	[dreg:$0x4] =	wrdreg $0xC0  }
0xad: {  	_ =	task [dreg:s9], $0x5FFFF  }
0xae: {  	[dreg:$0x1] =	wrdreg $0xFFFFFFFF  }
0xaf: {  	[dreg:$0x0] =	wrdreg $0x60  }
0xb0: {  	[dreg:$0x2] =	wrdreg s2  }
0xb1: {  	[dreg:$0x3] =	wrdreg s19  }
0xb2: {  	[dreg:$0x4] =	wrdreg s4  }
0xb3: {  	[dreg:$0x5] =	wrdreg $0x54100  }
0xb4: {  	[dreg:$0x6] =	wrdreg $0x9  }
0xb5: {  	_ =	task.clear_ibuf [dreg:s9], $0x7FFFF;
	_ =	strace $0x90000046  }
0xb6: {  	s29 =	simm.s32 $0x9;
	_ =	strace $0x80000048  }
0xb7: {  	_ =	swait.ge [sflag:s29], $0x1  }
0xb8: {  	[sflag:s29] =	ssyncadd.s32 $0xFFFFFFFF  }
0xb9: {  	_ =	strace $0x90000048  }
0xba: {  	_ =	sfence  }
0xbb: {  	s30 =	sld [smem:$0x0];
	_ =	sdelay $0x2  }
0xbc: {  	s31 =	sshll.u32 s1, $0xD;
	s1 =	sshrl.u32 s1, $0x2  }
0xbd: {  	s3 =	sand.u32 $0x4000, s31;
	s1 =	sadd.s32 s1, s30  }
0xbe: {  	s0 =	sor.u32 s3, s0;
	s1 =	sshll.u32 s1, $0x11  }
0xbf: {  	s0 =	sor.u32 s1, s0  }
0xc0: {  	s0 =	sadd.s32 $0x8F2B, s0  }
0xc1: {  	[sflag:s0] =	ssyncadd.remote.s32 $0x1  }
0xc2: {  	_ =	sfence.sel $0xFFFF  }
0xc3: {  	[dreg:$0x0] =	wrdreg $0xFFFFFFFF;
	(pc) =	sbr.abs _section_cstart, $3  }
0xc4: {  	[dreg:$0x1] =	wrdreg $0xFFFFFFFF  }
0xc5: {  	_ =	task.clear_ibuf [dreg:s9], $0x2FFFF;
	_ =	strace $0x9FFFFFFF  }
0xc6: {  	(tm) =	ssettm $0x7FFFFFFF  }
0xc7: {  	_ =	shalt  }
tec
execute0_lowered:
.L_overlay_start_1:
0x0: {  	(tag) =	ssettag $0x1  }
0x1: {  	s6 =	rddreg [dreg:$0x0]  }
0x2: {  	s1 =	rddreg [dreg:$0x1]  }
0x3: {  	s7 =	rddreg [dreg:$0x2]  }
0x4: {  	s3 =	rddreg [dreg:$0x3]  }
0x5: {  	s2 =	srdreg.scid;
	s0 =	stileid.u32  }
0x6: {  	s14 =	simm.s32 $0x4F90;
	s15 =	simm.s32 $0x2F10;
	s16 =	simm.s32 $0x5010  }
0x7: {  	s17 =	simm.s32 $0x3710;
	s18 =	simm.s32 $0x5090;
	s19 =	simm.s32 $0x3F10  }
0x8: {  	s20 =	simm.s32 $0x5110;
	s21 =	simm.s32 $0x4710;
	s5 =	sand.u32 $0x1, s2  }
0x9: {  	s4 =	sshll.u32 s0, $0x1;
	s8 =	smul.u32 $0x50, s0;
	s2 =	rddreg [dreg:$0x4]  }
0xa: {  	s10 =	smul.u32 $0xA00, s0;
	s22 =	sshll.u32 s0, $0x6;
	s9 =	sor.u32 s5, s4  }
0xb: {  	s4 =	simm.s32 $0x0;
	s11 =	ssub.s32 $0x2, s5;
	s13 =	smul.u32 $0x500, s5  }
0xc: {  	s22 =	sor.u32 $0x1C01, s22;
	s9 =	smul.u32 $0x4E2, s9;
	[smem:$0x7FF] =	sst s4  }
0xd: {  	s12 =	sshrl.u32 s11, $0x1;
	s31 =	sshrl.u32 s10, $0x2;
	s10 =	simm.s32 $0x1  }
0xe: {  	_ =	strace $0x80000047;
	s11 =	ssub.s32 s11, s12;
	s5 =	sadd.s32 s31, s3  }
0xf: {  	s8 =	sadd.s32 s8, s13;
	s12 =	simm.s32 $0x2710;
	s13 =	simm.s32 $0x80  }
0x10: {  	s6 =	sadd.s32 s6, s9;
	s7 =	sadd.s32 s7, s8;
	s8 =	smax.u32 s11, $0x1  }
0x11: {  	v0 =	vimm.f32 $0.0e+00;
	v1 =	vimm.f32 $1.000000000e+00;
	s9 =	simm.s32 $0x5190;
	s11 =	simm.s32 $0x4F10;
	s23 =	sshrl.u32 s5, $0x3  }
.LBB2_1:
0x12: {  	s24 =	simm.s32 $0x40;
	s25 =	simm.s32 $0x0  }
.LBB2_2:
0x13: {  	p0 =	sne.s32 s24, $0x9FC0;
	[tilespmem:s25+$0x2710] =	vst v0;
	s25 =	smov.u32 s24;
	s24 =	sadd.s32 $0x40, s24  }
.Ltmp0:
0x14: {  	(pc) =	sbr.rel @p0 .LBB2_2-.Ltmp0, $2  }
0x15: {  	_ =	sdelay $0x2  }
0x16: {  	s25 =	sshra.s32 s25, $0x2  }
0x17: {  	[tilespmem:s25+$0x2710] =	vst v0  }
0x18: {  	[tilespmem:$0x5190] =	vst v0  }
0x19: {  	[tilespmem:$0x51A0] =	vst v0  }
0x1a: {  	[tilespmem:$0x51B0] =	vst v0  }
0x1b: {  	[tilespmem:$0x51C0] =	vst v0  }
0x1c: {  	[tilespmem:$0x51D0] =	vst v0  }
0x1d: {  	[tilespmem:$0x51E0] =	vst v0  }
0x1e: {  	[tilespmem:$0x51F0] =	vst v0  }
0x1f: {  	[tilespmem:$0x5200] =	vst v0  }
0x20: {  	[tilespmem:$0x5210] =	vst v0  }
0x21: {  	[tilespmem:$0x5220] =	vst v0  }
0x22: {  	[tilespmem:$0x5230] =	vst v0  }
0x23: {  	[tilespmem:$0x5240] =	vst v0  }
0x24: {  	[tilespmem:$0x5250] =	vst v0  }
0x25: {  	[tilespmem:$0x5260] =	vst v0  }
0x26: {  	[tilespmem:$0x5270] =	vst v0  }
0x27: {  	[tilespmem:$0x5280] =	vst v0  }
0x28: {  	[tilespmem:$0x5290] =	vst v0  }
0x29: {  	[tilespmem:$0x52A0] =	vst v0  }
0x2a: {  	[tilespmem:$0x52B0] =	vst v0  }
0x2b: {  	[tilespmem:$0x52C0] =	vst v0  }
0x2c: {  	[tilespmem:$0x52D0] =	vst v0  }
0x2d: {  	[tilespmem:$0x52E0] =	vst v0  }
0x2e: {  	[tilespmem:$0x52F0] =	vst v0  }
0x2f: {  	[tilespmem:$0x5300] =	vst v0  }
0x30: {  	[tilespmem:$0x5310] =	vst v0  }
0x31: {  	[tilespmem:$0x5320] =	vst v0  }
0x32: {  	[tilespmem:$0x5330] =	vst v0  }
0x33: {  	[tilespmem:$0x5340] =	vst v0  }
0x34: {  	[tilespmem:$0x5350] =	vst v0  }
0x35: {  	[tilespmem:$0x5360] =	vst v0  }
0x36: {  	[tilespmem:$0x5370] =	vst v0  }
0x37: {  	[tilespmem:$0x5380] =	vst v0  }
0x38: {  	[tilespmem:$0x5390] =	vst v0  }
0x39: {  	[tilespmem:$0x53A0] =	vst v0  }
0x3a: {  	[tilespmem:$0x53B0] =	vst v0  }
0x3b: {  	[tilespmem:$0x53C0] =	vst v0  }
0x3c: {  	[tilespmem:$0x53D0] =	vst v0  }
0x3d: {  	[tilespmem:$0x53E0] =	vst v0  }
0x3e: {  	[tilespmem:$0x53F0] =	vst v0  }
0x3f: {  	[tilespmem:$0x5400] =	vst v0  }
0x40: {  	[spmem:s5] =	stream.linear.scatter [tilespmem:s9], [sflag:$0x1], $0x280, $0x38;
	[tilespmem:$0x5690] =	vst v63  }
0x41: {  	_ =	swait.ge [sflag:s10], $0x280  }
0x42: {  	[sflag:s10] =	ssyncset.done $0x0  }
0x43: {  	s24 =	simm.s32 $0x0;
	[sflag:s10] =	ssyncadd.s32 $0xFFFFFD80  }
0x44: {  	[tilespmem:s24], [sflag:$0x1] =	stream.linear.gather [hbm4b:s6+s24], $0x2710, $0x38;
	[tilespmem:$0x5690] =	vst v63  }
0x45: {  	_ =	swait.ge [sflag:s10], $0x2710  }
0x46: {  	[sflag:s10] =	ssyncset.done $0x0  }
0x47: {  	[sflag:s10] =	ssyncadd.s32 $0xFFFFD8F0  }
0x48: {  	[tilespmem:s11], [sflag:$0x1] =	stream.linear.gather [hbm4b:s1+s24], $0x280, $0x38;
	[tilespmem:$0x5690] =	vst v63  }
0x49: {  	_ =	swait.ge [sflag:s10], $0x280  }
0x4a: {  	[sflag:s10] =	ssyncset.done $0x0  }
0x4b: {  	[sflag:s10] =	ssyncadd.s32 $0xFFFFFD80  }
0x4c: {  	s25 =	simm.s32 $0x0;
	s24 =	simm.s32 $0x40;
	[bflag:$0x0] =	sbarrier.arrive $0xFFFF  }
.LBB2_4:
0x4d: {  	p0 =	sne.s32 s24, $0x9C00;
	v2 =	vld [tilespmem:s25+$0x0];
	_ =	sdelay $0x3  }
.Ltmp1:
0x4e: {  	(pc) =	sbr.rel @p0 .LBB2_4-.Ltmp1, $2  }
0x4f: {  	_ =	sdelay $0x2  }
0x50: {  	s25 =	sshra.s32 s24, $0x2;
	s24 =	sadd.s32 $0x40, s24;
	[tilespmem:v2+s12+$0x0] =	vst.idx.add.f32.msk $0xffff, v1  }
0x51: {  	v2 =	vld [tilespmem:s25+$0x0];
	_ =	sdelay $0x7  }
0x52: {  	[tilespmem:v2+s12+$0x0] =	vst.idx.add.f32.msk $0xffff, v1  }
0x53: {  	[spmem:s3] =	stream.indirect.scatter.add.f32 [tilespmem:s12], [sflag:$0x1], $0x10, s11, s13, $0xb8;
	[tilespmem:$0x5690] =	vst v63  }
0x54: {  	_ =	swait.ge [sflag:s10], $0x800  }
0x55: {  	[sflag:s10] =	ssyncset.done $0x0  }
0x56: {  	[sflag:s10] =	ssyncadd.s32 $0xFFFFF800  }
0x57: {  	[spmem:s3] =	stream.indirect.scatter.add.f32 [tilespmem:s15], [sflag:$0x1], $0x10, s14, s13, $0xb8;
	[tilespmem:$0x5690] =	vst v63  }
0x58: {  	_ =	swait.ge [sflag:s10], $0x800  }
0x59: {  	[sflag:s10] =	ssyncset.done $0x0  }
0x5a: {  	[sflag:s10] =	ssyncadd.s32 $0xFFFFF800  }
0x5b: {  	[spmem:s3] =	stream.indirect.scatter.add.f32 [tilespmem:s17], [sflag:$0x1], $0x10, s16, s13, $0xb8;
	[tilespmem:$0x5690] =	vst v63  }
0x5c: {  	_ =	swait.ge [sflag:s10], $0x800  }
0x5d: {  	[sflag:s10] =	ssyncset.done $0x0  }
0x5e: {  	[sflag:s10] =	ssyncadd.s32 $0xFFFFF800  }
0x5f: {  	[spmem:s3] =	stream.indirect.scatter.add.f32 [tilespmem:s19], [sflag:$0x1], $0x10, s18, s13, $0xb8;
	[tilespmem:$0x5690] =	vst v63  }
0x60: {  	_ =	swait.ge [sflag:s10], $0x800  }
0x61: {  	[sflag:s10] =	ssyncset.done $0x0  }
0x62: {  	[sflag:s10] =	ssyncadd.s32 $0xFFFFF800  }
0x63: {  	[spmem:s3] =	stream.indirect.scatter.add.f32 [tilespmem:s21], [sflag:$0x1], $0x10, s20, s13, $0xb8;
	[tilespmem:$0x5690] =	vst v63  }
0x64: {  	_ =	swait.ge [sflag:s10], $0x800  }
0x65: {  	s4 =	sadd.s32 $0x1, s4;
	[sflag:s10] =	ssyncset.done $0x0  }
0x66: {  	p0 =	sne.s32 s4, s8;
	[sflag:s10] =	ssyncadd.s32 $0xFFFFF800  }
.Ltmp2:
0x67: {  	[bflag:$0x0] =	sbarrier.arrive $0xFFFF;
	(pc) =	sbr.rel @p0 .LBB2_1-.Ltmp2, $4  }
0x68: {  	[hbm:s7], [sflag:s22] =	dma.local [spmem:s23], $0x50  }
0x69: {  	_ =	swait.ge [sflag:s10], $0x50  }
0x6a: {  	[sflag:s10] =	ssyncset.done $0x0  }
0x6b: {  	[sflag:s10] =	ssyncadd.s32 $0xFFFFFFB0  }
0x6c: {  	_ =	sfence.sel $0x180000  }
0x6d: {  	[bflag:$0x0] =	sbarrier.arrive $0xFFFF  }
0x6e: {  	p0 =	sne.s32 s0, $0x0;
	_ =	strace $0x90000047  }
0x6f: {  	s0 =	sadd.s32 @!p0 $0x100000, s2;
	[bflag:$0x2] =	sbarrier.arrive $0xFFFF  }
0x70: {  	[sflag:s0] =	ssyncadd.tile.s32 @!p0 $0x1;
	_ =	shalt  }
.Lfunc_end2:
_tile_overlayer_lowered:
.L_overlay_start_2:
0x71: {  	(tag) =	ssettag $0x2  }
0x72: {  	s0 =	rddreg [dreg:$0x0];
	s2 =	stileid.u32  }
0x73: {  	s1 =	rddreg [dreg:$0x1];
	p0 =	sne.s32 s2, $0x0  }
0x74: {  	s3 =	rddreg [dreg:$0x2];
	[bflag:$0x3] =	sbarrier.arrive $0xFFFF;
	s2 =	simm.s32 @!p0 $0x1C01  }
0x75: {  	[timem:s3], [sflag:s2] =	dma.local @!p0 [hbm:s0], s1  }
0x76: {  	s0 =	simm.s32 @!p0 $0x1  }
0x77: {  	_ =	swait.ge @!p0 [sflag:s0], s1  }
0x78: {  	s1 =	ssub.s32 @!p0 $0x0, s1;
	[sflag:s0] =	ssyncset.done @!p0 $0x0  }
0x79: {  	[sflag:s0] =	ssyncadd.s32 @!p0 s1  }
0x7a: {  	[bflag:$0x3] =	sbarrier.arrive $0xFFFF  }
0x7b: {  	_ =	shalt  }

</sc_bundles>
